<compile_context>
chip_gen: v7x
topology: tpu7x:2x2x1
jax: 0.10.2.dev20260603
libtpu: 0.0.44.dev20260713+nightly
codegen_flags: <defaults>
</compile_context>

<pallas_src>
import functools

import jax
import jax.numpy as jnp
from jax import lax
from jax.experimental import pallas as pl
from jax.experimental.pallas import tpu as pltpu
from jax.experimental.pallas import tpu_sc as plsc

N = 16384
C = 1000

_INFO = plsc.get_sparse_core_info()
NC, NS, L = _INFO.num_cores, _INFO.num_subcores, _INFO.num_lanes
NW = NC * NS
CPW = N // NW
CB = 128
NBLK = CPW // CB
GROUPS = CB // L

_mesh = plsc.VectorSubcoreMesh(core_axis_name="c", subcore_axis_name="s")


@functools.partial(
    pl.kernel,
    out_type=jax.ShapeDtypeStruct((C, N), jnp.float32),
    mesh=_mesh,
    scratch_types=[
        pltpu.VMEM((CPW,), jnp.int32),
        pltpu.VMEM((C, CB), jnp.float32),
        pltpu.SemaphoreType.DMA,
        pltpu.SemaphoreType.DMA,
    ],
    compiler_params=pltpu.CompilerParams(needs_layout_passes=False),
)
def _one_hot_t_sc(x_hbm, zeros_hbm, out_hbm, idx_v, buf, sem, zsem):
    wid = lax.axis_index("s") * NC + lax.axis_index("c")
    wbase = wid * CPW

    zd = pltpu.async_copy(zeros_hbm, buf, zsem)
    pltpu.sync_copy(x_hbm.at[pl.ds(wbase, CPW)], idx_v)
    zd.wait()

    lane = lax.iota(jnp.int32, L)
    ones = jnp.full((L,), 1.0, jnp.float32)
    zeros = jnp.zeros((L,), jnp.float32)

    d = None
    for c in range(NBLK):
        if d is not None:
            d.wait()
            for g in range(GROUPS):
                cols = lane + g * L
                cls = idx_v[pl.ds((c - 1) * CB + g * L, L)]
                plsc.store_scatter(buf, [cls, cols], zeros)
        for g in range(GROUPS):
            cols = lane + g * L
            cls = idx_v[pl.ds(c * CB + g * L, L)]
            plsc.store_scatter(buf, [cls, cols], ones)
        d = pltpu.async_copy(
            buf, out_hbm.at[:, pl.ds(wbase + c * CB, CB)], sem
        )
    d.wait()


def kernel(x1):
    x = x1.astype(jnp.int32)
    zeros = jnp.zeros((C, CB), jnp.float32)
    return _one_hot_t_sc(x, zeros).T

# --- scband reference (transcript-rebuilt; emitter-appended) ---
"""Pipeline reference for scband-one-hot-68676527063688 (READ-ONLY COPY).

The authoritative reference and input builder live on the scoring server;
editing this copy changes nothing except your own understanding.
"""

import jax, jax.numpy as jnp
import numpy as np

NUM_CLASSES = 1000

def setup_inputs(seed: int = 0) -> dict:
    key = jax.random.key(seed)
    # The torch module serializes categorical values (strings/ints) through a
    # classes dict into int64 codes; here we model the already-serialized codes.
    x1 = jax.random.randint(key, (16384,), 0, NUM_CLASSES, dtype=jnp.int64)
    return {"x1": x1}

def reference(x1) -> jnp.ndarray:
    # F.one_hot(longs, num_classes=len(self.classes)).float()
    return jax.nn.one_hot(x1, NUM_CLASSES, dtype=jnp.float32)

if __name__ == "__main__":
    import jax
    _d = setup_inputs()
    print(jax.jit(kernel)(*tuple(_d.values())))

</pallas_src>

<mosaic_0001>
#map = affine_map<(d0, d1) -> (0)>
#map1 = affine_map<(d0, d1) -> (0, 0)>
module attributes {stable_mosaic.version = 14 : i64} {
  func.func @_one_hot_t_sc(%arg0: i32, %arg1: i32, %arg2: memref<16384xi32, #tpu.memory_space<hbm>>, %arg3: memref<1000x128xf32, #tpu.memory_space<hbm>>, %arg4: memref<1000x16384xf32, #tpu.memory_space<hbm>>, %arg5: memref<512xi32, #tpu.memory_space<vmem>>, %arg6: memref<1000x128xf32, #tpu.memory_space<vmem>>, %arg7: memref<!tpu.dma_semaphore, #tpu.memory_space<semaphore_mem>>, %arg8: memref<!tpu.dma_semaphore, #tpu.memory_space<semaphore_mem>>) attributes {dimension_semantics = [#tpu.dimension_semantics<core_parallel>, #tpu.dimension_semantics<subcore_parallel>], iteration_bounds = array<i64: 2, 16>, scalar_prefetch = 0 : i64, scratch_operands = 4 : i64, tpu.core_type = #tpu.core_type<sc_vector_subcore>, window_params = [{transform_indices = #map}, {transform_indices = #map1}, {transform_indices = #map1}]} {
    %mul3A = arith.constant 2 : i32
    %mul3A_0 = arith.muli %arg1, %mul3A : i32
    %add3A = arith.addi %mul3A_0, %arg0 : i32
    %mul3A_1 = arith.constant 512 : i32
    %mul3A_2 = arith.muli %add3A, %mul3A_1 : i32
    tpu.enqueue_dma source(%arg3 : memref<1000x128xf32, #tpu.memory_space<hbm>>) target(%arg6 : memref<1000x128xf32, #tpu.memory_space<vmem>>) target_semaphore(%arg8 : memref<!tpu.dma_semaphore, #tpu.memory_space<semaphore_mem>>)
    "tpu.region"() ({
      %run_scoped3A = tpu.sem_alloc : memref<!tpu.dma_semaphore, #tpu.memory_space<semaphore_mem>>
      %dma_start3A_323 = tpu.memref_slice %arg2[%mul3A_2] : memref<16384xi32, #tpu.memory_space<hbm>> -> memref<512xi32, #tpu.memory_space<hbm>>
      %dma_start3A_324 = tpu.memref_slice %arg2[%mul3A_2] : memref<16384xi32, #tpu.memory_space<hbm>> -> memref<512xi32, #tpu.memory_space<hbm>>
      tpu.enqueue_dma source(%dma_start3A_324 : memref<512xi32, #tpu.memory_space<hbm>>) target(%arg5 : memref<512xi32, #tpu.memory_space<vmem>>) target_semaphore(%run_scoped3A : memref<!tpu.dma_semaphore, #tpu.memory_space<semaphore_mem>>)
      %dma_wait3A_325 = tpu.memref_slice %arg2[%mul3A_2] : memref<16384xi32, #tpu.memory_space<hbm>> -> memref<512xi32, #tpu.memory_space<hbm>>
      %dma_wait3A_326 = tpu.memref_slice %arg2[%mul3A_2] : memref<16384xi32, #tpu.memory_space<hbm>> -> memref<512xi32, #tpu.memory_space<hbm>>
      tpu.wait_dma2 semaphore(%run_scoped3A : memref<!tpu.dma_semaphore, #tpu.memory_space<semaphore_mem>>) src(%dma_wait3A_326 : memref<512xi32, #tpu.memory_space<hbm>>) dst(%arg5 : memref<512xi32, #tpu.memory_space<vmem>>)
      tpu.yield
    }) : () -> ()
    tpu.wait_dma2 semaphore(%arg8 : memref<!tpu.dma_semaphore, #tpu.memory_space<semaphore_mem>>) src(%arg3 : memref<1000x128xf32, #tpu.memory_space<hbm>>) dst(%arg6 : memref<1000x128xf32, #tpu.memory_space<vmem>>)
    %iota3A = tpu.iota {dimensions = array<i32: 0>} : vector<16xi32>
    %broadcast_in_dim3A = arith.constant 1.000000e+00 : f32
    %broadcast_in_dim3A_3 = vector.broadcast %broadcast_in_dim3A : f32 to vector<16xf32>
    %broadcast_in_dim3A_4 = arith.constant 0.000000e+00 : f32
    %broadcast_in_dim3A_5 = vector.broadcast %broadcast_in_dim3A_4 : f32 to vector<16xf32>
    %add3A_6 = arith.constant 0 : i32
    %add3A_7 = vector.broadcast %add3A_6 : i32 to vector<16xi32>
    %add3A_8 = arith.addi %iota3A, %add3A_7 : vector<16xi32>
    %get3A = arith.constant 0 : index
    %get3A_9 = tpu.vector_load %arg5[%get3A] {strides = array<i32>} : memref<512xi32, #tpu.memory_space<vmem>>, vector<16xi32>,
    tpu.vector_store_idx %arg6[%get3A_9, %add3A_8], %broadcast_in_dim3A_3 : memref<1000x128xf32, #tpu.memory_space<vmem>>[vector<16xi32>, vector<16xi32>], vector<16xf32>,
    %add3A_10 = arith.constant 16 : i32
    %add3A_11 = vector.broadcast %add3A_10 : i32 to vector<16xi32>
    %add3A_12 = arith.addi %iota3A, %add3A_11 : vector<16xi32>
    %get3A_13 = arith.constant 16 : index
    %get3A_14 = tpu.vector_load %arg5[%get3A_13] {strides = array<i32>} : memref<512xi32, #tpu.memory_space<vmem>>, vector<16xi32>,
    tpu.vector_store_idx %arg6[%get3A_14, %add3A_12], %broadcast_in_dim3A_3 : memref<1000x128xf32, #tpu.memory_space<vmem>>[vector<16xi32>, vector<16xi32>], vector<16xf32>,
    %add3A_15 = arith.constant 32 : i32
    %add3A_16 = vector.broadcast %add3A_15 : i32 to vector<16xi32>
    %add3A_17 = arith.addi %iota3A, %add3A_16 : vector<16xi32>
    %get3A_18 = arith.constant 32 : index
    %get3A_19 = tpu.vector_load %arg5[%get3A_18] {strides = array<i32>} : memref<512xi32, #tpu.memory_space<vmem>>, vector<16xi32>,
    tpu.vector_store_idx %arg6[%get3A_19, %add3A_17], %broadcast_in_dim3A_3 : memref<1000x128xf32, #tpu.memory_space<vmem>>[vector<16xi32>, vector<16xi32>], vector<16xf32>,
    %add3A_20 = arith.constant 48 : i32
    %add3A_21 = vector.broadcast %add3A_20 : i32 to vector<16xi32>
    %add3A_22 = arith.addi %iota3A, %add3A_21 : vector<16xi32>
    %get3A_23 = arith.constant 48 : index
    %get3A_24 = tpu.vector_load %arg5[%get3A_23] {strides = array<i32>} : memref<512xi32, #tpu.memory_space<vmem>>, vector<16xi32>,
    tpu.vector_store_idx %arg6[%get3A_24, %add3A_22], %broadcast_in_dim3A_3 : memref<1000x128xf32, #tpu.memory_space<vmem>>[vector<16xi32>, vector<16xi32>], vector<16xf32>,
    %add3A_25 = arith.constant 64 : i32
    %add3A_26 = vector.broadcast %add3A_25 : i32 to vector<16xi32>
    %add3A_27 = arith.addi %iota3A, %add3A_26 : vector<16xi32>
    %get3A_28 = arith.constant 64 : index
    %get3A_29 = tpu.vector_load %arg5[%get3A_28] {strides = array<i32>} : memref<512xi32, #tpu.memory_space<vmem>>, vector<16xi32>,
    tpu.vector_store_idx %arg6[%get3A_29, %add3A_27], %broadcast_in_dim3A_3 : memref<1000x128xf32, #tpu.memory_space<vmem>>[vector<16xi32>, vector<16xi32>], vector<16xf32>,
    %add3A_30 = arith.constant 80 : i32
    %add3A_31 = vector.broadcast %add3A_30 : i32 to vector<16xi32>
    %add3A_32 = arith.addi %iota3A, %add3A_31 : vector<16xi32>
    %get3A_33 = arith.constant 80 : index
    %get3A_34 = tpu.vector_load %arg5[%get3A_33] {strides = array<i32>} : memref<512xi32, #tpu.memory_space<vmem>>, vector<16xi32>,
    tpu.vector_store_idx %arg6[%get3A_34, %add3A_32], %broadcast_in_dim3A_3 : memref<1000x128xf32, #tpu.memory_space<vmem>>[vector<16xi32>, vector<16xi32>], vector<16xf32>,
    %add3A_35 = arith.constant 96 : i32
    %add3A_36 = vector.broadcast %add3A_35 : i32 to vector<16xi32>
    %add3A_37 = arith.addi %iota3A, %add3A_36 : vector<16xi32>
    %get3A_38 = arith.constant 96 : index
    %get3A_39 = tpu.vector_load %arg5[%get3A_38] {strides = array<i32>} : memref<512xi32, #tpu.memory_space<vmem>>, vector<16xi32>,
    tpu.vector_store_idx %arg6[%get3A_39, %add3A_37], %broadcast_in_dim3A_3 : memref<1000x128xf32, #tpu.memory_space<vmem>>[vector<16xi32>, vector<16xi32>], vector<16xf32>,
    %add3A_40 = arith.constant 112 : i32
    %add3A_41 = vector.broadcast %add3A_40 : i32 to vector<16xi32>
    %add3A_42 = arith.addi %iota3A, %add3A_41 : vector<16xi32>
    %get3A_43 = arith.constant 112 : index
    %get3A_44 = tpu.vector_load %arg5[%get3A_43] {strides = array<i32>} : memref<512xi32, #tpu.memory_space<vmem>>, vector<16xi32>,
    tpu.vector_store_idx %arg6[%get3A_44, %add3A_42], %broadcast_in_dim3A_3 : memref<1000x128xf32, #tpu.memory_space<vmem>>[vector<16xi32>, vector<16xi32>], vector<16xf32>,
    %add3A_45 = arith.constant 0 : i32
    %add3A_46 = arith.addi %mul3A_2, %add3A_45 : i32
    %dma_start3A = arith.constant 0 : i32
    %dma_start3A_47 = tpu.memref_slice %arg4[%dma_start3A, %add3A_46] : memref<1000x16384xf32, #tpu.memory_space<hbm>> -> memref<1000x128xf32, #tpu.memory_space<hbm>>
    %dma_start3A_48 = arith.constant 0 : i32
    %dma_start3A_49 = tpu.memref_slice %arg4[%dma_start3A_48, %add3A_46] : memref<1000x16384xf32, #tpu.memory_space<hbm>> -> memref<1000x128xf32, #tpu.memory_space<hbm>>
    tpu.enqueue_dma source(%arg6 : memref<1000x128xf32, #tpu.memory_space<vmem>>) target(%dma_start3A_49 : memref<1000x128xf32, #tpu.memory_space<hbm>>) target_semaphore(%arg7 : memref<!tpu.dma_semaphore, #tpu.memory_space<semaphore_mem>>)
    %dma_wait3A = arith.constant 0 : i32
    %dma_wait3A_50 = tpu.memref_slice %arg4[%dma_wait3A, %add3A_46] : memref<1000x16384xf32, #tpu.memory_space<hbm>> -> memref<1000x128xf32, #tpu.memory_space<hbm>>
    %dma_wait3A_51 = arith.constant 0 : i32
    %dma_wait3A_52 = tpu.memref_slice %arg4[%dma_wait3A_51, %add3A_46] : memref<1000x16384xf32, #tpu.memory_space<hbm>> -> memref<1000x128xf32, #tpu.memory_space<hbm>>
    tpu.wait_dma2 semaphore(%arg7 : memref<!tpu.dma_semaphore, #tpu.memory_space<semaphore_mem>>) src(%arg6 : memref<1000x128xf32, #tpu.memory_space<vmem>>) dst(%dma_wait3A_52 : memref<1000x128xf32, #tpu.memory_space<hbm>>)
    %add3A_53 = arith.constant 0 : i32
    %add3A_54 = vector.broadcast %add3A_53 : i32 to vector<16xi32>
    %add3A_55 = arith.addi %iota3A, %add3A_54 : vector<16xi32>
    %get3A_56 = arith.constant 0 : index
    %get3A_57 = tpu.vector_load %arg5[%get3A_56] {strides = array<i32>} : memref<512xi32, #tpu.memory_space<vmem>>, vector<16xi32>,
    tpu.vector_store_idx %arg6[%get3A_57, %add3A_55], %broadcast_in_dim3A_5 : memref<1000x128xf32, #tpu.memory_space<vmem>>[vector<16xi32>, vector<16xi32>], vector<16xf32>,
    %add3A_58 = arith.constant 16 : i32
    %add3A_59 = vector.broadcast %add3A_58 : i32 to vector<16xi32>
    %add3A_60 = arith.addi %iota3A, %add3A_59 : vector<16xi32>
    %get3A_61 = arith.constant 16 : index
    %get3A_62 = tpu.vector_load %arg5[%get3A_61] {strides = array<i32>} : memref<512xi32, #tpu.memory_space<vmem>>, vector<16xi32>,
    tpu.vector_store_idx %arg6[%get3A_62, %add3A_60], %broadcast_in_dim3A_5 : memref<1000x128xf32, #tpu.memory_space<vmem>>[vector<16xi32>, vector<16xi32>], vector<16xf32>,
    %add3A_63 = arith.constant 32 : i32
    %add3A_64 = vector.broadcast %add3A_63 : i32 to vector<16xi32>
    %add3A_65 = arith.addi %iota3A, %add3A_64 : vector<16xi32>
    %get3A_66 = arith.constant 32 : index
    %get3A_67 = tpu.vector_load %arg5[%get3A_66] {strides = array<i32>} : memref<512xi32, #tpu.memory_space<vmem>>, vector<16xi32>,
    tpu.vector_store_idx %arg6[%get3A_67, %add3A_65], %broadcast_in_dim3A_5 : memref<1000x128xf32, #tpu.memory_space<vmem>>[vector<16xi32>, vector<16xi32>], vector<16xf32>,
    %add3A_68 = arith.constant 48 : i32
    %add3A_69 = vector.broadcast %add3A_68 : i32 to vector<16xi32>
    %add3A_70 = arith.addi %iota3A, %add3A_69 : vector<16xi32>
    %get3A_71 = arith.constant 48 : index
    %get3A_72 = tpu.vector_load %arg5[%get3A_71] {strides = array<i32>} : memref<512xi32, #tpu.memory_space<vmem>>, vector<16xi32>,
    tpu.vector_store_idx %arg6[%get3A_72, %add3A_70], %broadcast_in_dim3A_5 : memref<1000x128xf32, #tpu.memory_space<vmem>>[vector<16xi32>, vector<16xi32>], vector<16xf32>,
    %add3A_73 = arith.constant 64 : i32
    %add3A_74 = vector.broadcast %add3A_73 : i32 to vector<16xi32>
    %add3A_75 = arith.addi %iota3A, %add3A_74 : vector<16xi32>
    %get3A_76 = arith.constant 64 : index
    %get3A_77 = tpu.vector_load %arg5[%get3A_76] {strides = array<i32>} : memref<512xi32, #tpu.memory_space<vmem>>, vector<16xi32>,
    tpu.vector_store_idx %arg6[%get3A_77, %add3A_75], %broadcast_in_dim3A_5 : memref<1000x128xf32, #tpu.memory_space<vmem>>[vector<16xi32>, vector<16xi32>], vector<16xf32>,
    %add3A_78 = arith.constant 80 : i32
    %add3A_79 = vector.broadcast %add3A_78 : i32 to vector<16xi32>
    %add3A_80 = arith.addi %iota3A, %add3A_79 : vector<16xi32>
    %get3A_81 = arith.constant 80 : index
    %get3A_82 = tpu.vector_load %arg5[%get3A_81] {strides = array<i32>} : memref<512xi32, #tpu.memory_space<vmem>>, vector<16xi32>,
    tpu.vector_store_idx %arg6[%get3A_82, %add3A_80], %broadcast_in_dim3A_5 : memref<1000x128xf32, #tpu.memory_space<vmem>>[vector<16xi32>, vector<16xi32>], vector<16xf32>,
    %add3A_83 = arith.constant 96 : i32
    %add3A_84 = vector.broadcast %add3A_83 : i32 to vector<16xi32>
    %add3A_85 = arith.addi %iota3A, %add3A_84 : vector<16xi32>
    %get3A_86 = arith.constant 96 : index
    %get3A_87 = tpu.vector_load %arg5[%get3A_86] {strides = array<i32>} : memref<512xi32, #tpu.memory_space<vmem>>, vector<16xi32>,
    tpu.vector_store_idx %arg6[%get3A_87, %add3A_85], %broadcast_in_dim3A_5 : memref<1000x128xf32, #tpu.memory_space<vmem>>[vector<16xi32>, vector<16xi32>], vector<16xf32>,
    %add3A_88 = arith.constant 112 : i32
    %add3A_89 = vector.broadcast %add3A_88 : i32 to vector<16xi32>
    %add3A_90 = arith.addi %iota3A, %add3A_89 : vector<16xi32>
    %get3A_91 = arith.constant 112 : index
    %get3A_92 = tpu.vector_load %arg5[%get3A_91] {strides = array<i32>} : memref<512xi32, #tpu.memory_space<vmem>>, vector<16xi32>,
    tpu.vector_store_idx %arg6[%get3A_92, %add3A_90], %broadcast_in_dim3A_5 : memref<1000x128xf32, #tpu.memory_space<vmem>>[vector<16xi32>, vector<16xi32>], vector<16xf32>,
    %add3A_93 = arith.constant 0 : i32
    %add3A_94 = vector.broadcast %add3A_93 : i32 to vector<16xi32>
    %add3A_95 = arith.addi %iota3A, %add3A_94 : vector<16xi32>
    %get3A_96 = arith.constant 128 : index
    %get3A_97 = tpu.vector_load %arg5[%get3A_96] {strides = array<i32>} : memref<512xi32, #tpu.memory_space<vmem>>, vector<16xi32>,
    tpu.vector_store_idx %arg6[%get3A_97, %add3A_95], %broadcast_in_dim3A_3 : memref<1000x128xf32, #tpu.memory_space<vmem>>[vector<16xi32>, vector<16xi32>], vector<16xf32>,
    %add3A_98 = arith.constant 16 : i32
    %add3A_99 = vector.broadcast %add3A_98 : i32 to vector<16xi32>
    %add3A_100 = arith.addi %iota3A, %add3A_99 : vector<16xi32>
    %get3A_101 = arith.constant 144 : index
    %get3A_102 = tpu.vector_load %arg5[%get3A_101] {strides = array<i32>} : memref<512xi32, #tpu.memory_space<vmem>>, vector<16xi32>,
    tpu.vector_store_idx %arg6[%get3A_102, %add3A_100], %broadcast_in_dim3A_3 : memref<1000x128xf32, #tpu.memory_space<vmem>>[vector<16xi32>, vector<16xi32>], vector<16xf32>,
    %add3A_103 = arith.constant 32 : i32
    %add3A_104 = vector.broadcast %add3A_103 : i32 to vector<16xi32>
    %add3A_105 = arith.addi %iota3A, %add3A_104 : vector<16xi32>
    %get3A_106 = arith.constant 160 : index
    %get3A_107 = tpu.vector_load %arg5[%get3A_106] {strides = array<i32>} : memref<512xi32, #tpu.memory_space<vmem>>, vector<16xi32>,
    tpu.vector_store_idx %arg6[%get3A_107, %add3A_105], %broadcast_in_dim3A_3 : memref<1000x128xf32, #tpu.memory_space<vmem>>[vector<16xi32>, vector<16xi32>], vector<16xf32>,
    %add3A_108 = arith.constant 48 : i32
    %add3A_109 = vector.broadcast %add3A_108 : i32 to vector<16xi32>
    %add3A_110 = arith.addi %iota3A, %add3A_109 : vector<16xi32>
    %get3A_111 = arith.constant 176 : index
    %get3A_112 = tpu.vector_load %arg5[%get3A_111] {strides = array<i32>} : memref<512xi32, #tpu.memory_space<vmem>>, vector<16xi32>,
    tpu.vector_store_idx %arg6[%get3A_112, %add3A_110], %broadcast_in_dim3A_3 : memref<1000x128xf32, #tpu.memory_space<vmem>>[vector<16xi32>, vector<16xi32>], vector<16xf32>,
    %add3A_113 = arith.constant 64 : i32
    %add3A_114 = vector.broadcast %add3A_113 : i32 to vector<16xi32>
    %add3A_115 = arith.addi %iota3A, %add3A_114 : vector<16xi32>
    %get3A_116 = arith.constant 192 : index
    %get3A_117 = tpu.vector_load %arg5[%get3A_116] {strides = array<i32>} : memref<512xi32, #tpu.memory_space<vmem>>, vector<16xi32>,
    tpu.vector_store_idx %arg6[%get3A_117, %add3A_115], %broadcast_in_dim3A_3 : memref<1000x128xf32, #tpu.memory_space<vmem>>[vector<16xi32>, vector<16xi32>], vector<16xf32>,
    %add3A_118 = arith.constant 80 : i32
    %add3A_119 = vector.broadcast %add3A_118 : i32 to vector<16xi32>
    %add3A_120 = arith.addi %iota3A, %add3A_119 : vector<16xi32>
    %get3A_121 = arith.constant 208 : index
    %get3A_122 = tpu.vector_load %arg5[%get3A_121] {strides = array<i32>} : memref<512xi32, #tpu.memory_space<vmem>>, vector<16xi32>,
    tpu.vector_store_idx %arg6[%get3A_122, %add3A_120], %broadcast_in_dim3A_3 : memref<1000x128xf32, #tpu.memory_space<vmem>>[vector<16xi32>, vector<16xi32>], vector<16xf32>,
    %add3A_123 = arith.constant 96 : i32
    %add3A_124 = vector.broadcast %add3A_123 : i32 to vector<16xi32>
    %add3A_125 = arith.addi %iota3A, %add3A_124 : vector<16xi32>
    %get3A_126 = arith.constant 224 : index
    %get3A_127 = tpu.vector_load %arg5[%get3A_126] {strides = array<i32>} : memref<512xi32, #tpu.memory_space<vmem>>, vector<16xi32>,
    tpu.vector_store_idx %arg6[%get3A_127, %add3A_125], %broadcast_in_dim3A_3 : memref<1000x128xf32, #tpu.memory_space<vmem>>[vector<16xi32>, vector<16xi32>], vector<16xf32>,
    %add3A_128 = arith.constant 112 : i32
    %add3A_129 = vector.broadcast %add3A_128 : i32 to vector<16xi32>
    %add3A_130 = arith.addi %iota3A, %add3A_129 : vector<16xi32>
    %get3A_131 = arith.constant 240 : index
    %get3A_132 = tpu.vector_load %arg5[%get3A_131] {strides = array<i32>} : memref<512xi32, #tpu.memory_space<vmem>>, vector<16xi32>,
    tpu.vector_store_idx %arg6[%get3A_132, %add3A_130], %broadcast_in_dim3A_3 : memref<1000x128xf32, #tpu.memory_space<vmem>>[vector<16xi32>, vector<16xi32>], vector<16xf32>,
    %add3A_133 = arith.constant 128 : i32
    %add3A_134 = arith.addi %mul3A_2, %add3A_133 : i32
    %dma_start3A_135 = arith.constant 0 : i32
    %dma_start3A_136 = tpu.memref_slice %arg4[%dma_start3A_135, %add3A_134] : memref<1000x16384xf32, #tpu.memory_space<hbm>> -> memref<1000x128xf32, #tpu.memory_space<hbm>>
    %dma_start3A_137 = arith.constant 0 : i32
    %dma_start3A_138 = tpu.memref_slice %arg4[%dma_start3A_137, %add3A_134] : memref<1000x16384xf32, #tpu.memory_space<hbm>> -> memref<1000x128xf32, #tpu.memory_space<hbm>>
    tpu.enqueue_dma source(%arg6 : memref<1000x128xf32, #tpu.memory_space<vmem>>) target(%dma_start3A_138 : memref<1000x128xf32, #tpu.memory_space<hbm>>) target_semaphore(%arg7 : memref<!tpu.dma_semaphore, #tpu.memory_space<semaphore_mem>>)
    %dma_wait3A_139 = arith.constant 0 : i32
    %dma_wait3A_140 = tpu.memref_slice %arg4[%dma_wait3A_139, %add3A_134] : memref<1000x16384xf32, #tpu.memory_space<hbm>> -> memref<1000x128xf32, #tpu.memory_space<hbm>>
    %dma_wait3A_141 = arith.constant 0 : i32
    %dma_wait3A_142 = tpu.memref_slice %arg4[%dma_wait3A_141, %add3A_134] : memref<1000x16384xf32, #tpu.memory_space<hbm>> -> memref<1000x128xf32, #tpu.memory_space<hbm>>
    tpu.wait_dma2 semaphore(%arg7 : memref<!tpu.dma_semaphore, #tpu.memory_space<semaphore_mem>>) src(%arg6 : memref<1000x128xf32, #tpu.memory_space<vmem>>) dst(%dma_wait3A_142 : memref<1000x128xf32, #tpu.memory_space<hbm>>)
    %add3A_143 = arith.constant 0 : i32
    %add3A_144 = vector.broadcast %add3A_143 : i32 to vector<16xi32>
    %add3A_145 = arith.addi %iota3A, %add3A_144 : vector<16xi32>
    %get3A_146 = arith.constant 128 : index
    %get3A_147 = tpu.vector_load %arg5[%get3A_146] {strides = array<i32>} : memref<512xi32, #tpu.memory_space<vmem>>, vector<16xi32>,
    tpu.vector_store_idx %arg6[%get3A_147, %add3A_145], %broadcast_in_dim3A_5 : memref<1000x128xf32, #tpu.memory_space<vmem>>[vector<16xi32>, vector<16xi32>], vector<16xf32>,
    %add3A_148 = arith.constant 16 : i32
    %add3A_149 = vector.broadcast %add3A_148 : i32 to vector<16xi32>
    %add3A_150 = arith.addi %iota3A, %add3A_149 : vector<16xi32>
    %get3A_151 = arith.constant 144 : index
    %get3A_152 = tpu.vector_load %arg5[%get3A_151] {strides = array<i32>} : memref<512xi32, #tpu.memory_space<vmem>>, vector<16xi32>,
    tpu.vector_store_idx %arg6[%get3A_152, %add3A_150], %broadcast_in_dim3A_5 : memref<1000x128xf32, #tpu.memory_space<vmem>>[vector<16xi32>, vector<16xi32>], vector<16xf32>,
    %add3A_153 = arith.constant 32 : i32
    %add3A_154 = vector.broadcast %add3A_153 : i32 to vector<16xi32>
    %add3A_155 = arith.addi %iota3A, %add3A_154 : vector<16xi32>
    %get3A_156 = arith.constant 160 : index
    %get3A_157 = tpu.vector_load %arg5[%get3A_156] {strides = array<i32>} : memref<512xi32, #tpu.memory_space<vmem>>, vector<16xi32>,
    tpu.vector_store_idx %arg6[%get3A_157, %add3A_155], %broadcast_in_dim3A_5 : memref<1000x128xf32, #tpu.memory_space<vmem>>[vector<16xi32>, vector<16xi32>], vector<16xf32>,
    %add3A_158 = arith.constant 48 : i32
    %add3A_159 = vector.broadcast %add3A_158 : i32 to vector<16xi32>
    %add3A_160 = arith.addi %iota3A, %add3A_159 : vector<16xi32>
    %get3A_161 = arith.constant 176 : index
    %get3A_162 = tpu.vector_load %arg5[%get3A_161] {strides = array<i32>} : memref<512xi32, #tpu.memory_space<vmem>>, vector<16xi32>,
    tpu.vector_store_idx %arg6[%get3A_162, %add3A_160], %broadcast_in_dim3A_5 : memref<1000x128xf32, #tpu.memory_space<vmem>>[vector<16xi32>, vector<16xi32>], vector<16xf32>,
    %add3A_163 = arith.constant 64 : i32
    %add3A_164 = vector.broadcast %add3A_163 : i32 to vector<16xi32>
    %add3A_165 = arith.addi %iota3A, %add3A_164 : vector<16xi32>
    %get3A_166 = arith.constant 192 : index
    %get3A_167 = tpu.vector_load %arg5[%get3A_166] {strides = array<i32>} : memref<512xi32, #tpu.memory_space<vmem>>, vector<16xi32>,
    tpu.vector_store_idx %arg6[%get3A_167, %add3A_165], %broadcast_in_dim3A_5 : memref<1000x128xf32, #tpu.memory_space<vmem>>[vector<16xi32>, vector<16xi32>], vector<16xf32>,
    %add3A_168 = arith.constant 80 : i32
    %add3A_169 = vector.broadcast %add3A_168 : i32 to vector<16xi32>
    %add3A_170 = arith.addi %iota3A, %add3A_169 : vector<16xi32>
    %get3A_171 = arith.constant 208 : index
    %get3A_172 = tpu.vector_load %arg5[%get3A_171] {strides = array<i32>} : memref<512xi32, #tpu.memory_space<vmem>>, vector<16xi32>,
    tpu.vector_store_idx %arg6[%get3A_172, %add3A_170], %broadcast_in_dim3A_5 : memref<1000x128xf32, #tpu.memory_space<vmem>>[vector<16xi32>, vector<16xi32>], vector<16xf32>,
    %add3A_173 = arith.constant 96 : i32
    %add3A_174 = vector.broadcast %add3A_173 : i32 to vector<16xi32>
    %add3A_175 = arith.addi %iota3A, %add3A_174 : vector<16xi32>
    %get3A_176 = arith.constant 224 : index
    %get3A_177 = tpu.vector_load %arg5[%get3A_176] {strides = array<i32>} : memref<512xi32, #tpu.memory_space<vmem>>, vector<16xi32>,
    tpu.vector_store_idx %arg6[%get3A_177, %add3A_175], %broadcast_in_dim3A_5 : memref<1000x128xf32, #tpu.memory_space<vmem>>[vector<16xi32>, vector<16xi32>], vector<16xf32>,
    %add3A_178 = arith.constant 112 : i32
    %add3A_179 = vector.broadcast %add3A_178 : i32 to vector<16xi32>
    %add3A_180 = arith.addi %iota3A, %add3A_179 : vector<16xi32>
    %get3A_181 = arith.constant 240 : index
    %get3A_182 = tpu.vector_load %arg5[%get3A_181] {strides = array<i32>} : memref<512xi32, #tpu.memory_space<vmem>>, vector<16xi32>,
    tpu.vector_store_idx %arg6[%get3A_182, %add3A_180], %broadcast_in_dim3A_5 : memref<1000x128xf32, #tpu.memory_space<vmem>>[vector<16xi32>, vector<16xi32>], vector<16xf32>,
    %add3A_183 = arith.constant 0 : i32
    %add3A_184 = vector.broadcast %add3A_183 : i32 to vector<16xi32>
    %add3A_185 = arith.addi %iota3A, %add3A_184 : vector<16xi32>
    %get3A_186 = arith.constant 256 : index
    %get3A_187 = tpu.vector_load %arg5[%get3A_186] {strides = array<i32>} : memref<512xi32, #tpu.memory_space<vmem>>, vector<16xi32>,
    tpu.vector_store_idx %arg6[%get3A_187, %add3A_185], %broadcast_in_dim3A_3 : memref<1000x128xf32, #tpu.memory_space<vmem>>[vector<16xi32>, vector<16xi32>], vector<16xf32>,
    %add3A_188 = arith.constant 16 : i32
    %add3A_189 = vector.broadcast %add3A_188 : i32 to vector<16xi32>
    %add3A_190 = arith.addi %iota3A, %add3A_189 : vector<16xi32>
    %get3A_191 = arith.constant 272 : index
    %get3A_192 = tpu.vector_load %arg5[%get3A_191] {strides = array<i32>} : memref<512xi32, #tpu.memory_space<vmem>>, vector<16xi32>,
    tpu.vector_store_idx %arg6[%get3A_192, %add3A_190], %broadcast_in_dim3A_3 : memref<1000x128xf32, #tpu.memory_space<vmem>>[vector<16xi32>, vector<16xi32>], vector<16xf32>,
    %add3A_193 = arith.constant 32 : i32
    %add3A_194 = vector.broadcast %add3A_193 : i32 to vector<16xi32>
    %add3A_195 = arith.addi %iota3A, %add3A_194 : vector<16xi32>
    %get3A_196 = arith.constant 288 : index
    %get3A_197 = tpu.vector_load %arg5[%get3A_196] {strides = array<i32>} : memref<512xi32, #tpu.memory_space<vmem>>, vector<16xi32>,
    tpu.vector_store_idx %arg6[%get3A_197, %add3A_195], %broadcast_in_dim3A_3 : memref<1000x128xf32, #tpu.memory_space<vmem>>[vector<16xi32>, vector<16xi32>], vector<16xf32>,
    %add3A_198 = arith.constant 48 : i32
    %add3A_199 = vector.broadcast %add3A_198 : i32 to vector<16xi32>
    %add3A_200 = arith.addi %iota3A, %add3A_199 : vector<16xi32>
    %get3A_201 = arith.constant 304 : index
    %get3A_202 = tpu.vector_load %arg5[%get3A_201] {strides = array<i32>} : memref<512xi32, #tpu.memory_space<vmem>>, vector<16xi32>,
    tpu.vector_store_idx %arg6[%get3A_202, %add3A_200], %broadcast_in_dim3A_3 : memref<1000x128xf32, #tpu.memory_space<vmem>>[vector<16xi32>, vector<16xi32>], vector<16xf32>,
    %add3A_203 = arith.constant 64 : i32
    %add3A_204 = vector.broadcast %add3A_203 : i32 to vector<16xi32>
    %add3A_205 = arith.addi %iota3A, %add3A_204 : vector<16xi32>
    %get3A_206 = arith.constant 320 : index
    %get3A_207 = tpu.vector_load %arg5[%get3A_206] {strides = array<i32>} : memref<512xi32, #tpu.memory_space<vmem>>, vector<16xi32>,
    tpu.vector_store_idx %arg6[%get3A_207, %add3A_205], %broadcast_in_dim3A_3 : memref<1000x128xf32, #tpu.memory_space<vmem>>[vector<16xi32>, vector<16xi32>], vector<16xf32>,
    %add3A_208 = arith.constant 80 : i32
    %add3A_209 = vector.broadcast %add3A_208 : i32 to vector<16xi32>
    %add3A_210 = arith.addi %iota3A, %add3A_209 : vector<16xi32>
    %get3A_211 = arith.constant 336 : index
    %get3A_212 = tpu.vector_load %arg5[%get3A_211] {strides = array<i32>} : memref<512xi32, #tpu.memory_space<vmem>>, vector<16xi32>,
    tpu.vector_store_idx %arg6[%get3A_212, %add3A_210], %broadcast_in_dim3A_3 : memref<1000x128xf32, #tpu.memory_space<vmem>>[vector<16xi32>, vector<16xi32>], vector<16xf32>,
    %add3A_213 = arith.constant 96 : i32
    %add3A_214 = vector.broadcast %add3A_213 : i32 to vector<16xi32>
    %add3A_215 = arith.addi %iota3A, %add3A_214 : vector<16xi32>
    %get3A_216 = arith.constant 352 : index
    %get3A_217 = tpu.vector_load %arg5[%get3A_216] {strides = array<i32>} : memref<512xi32, #tpu.memory_space<vmem>>, vector<16xi32>,
    tpu.vector_store_idx %arg6[%get3A_217, %add3A_215], %broadcast_in_dim3A_3 : memref<1000x128xf32, #tpu.memory_space<vmem>>[vector<16xi32>, vector<16xi32>], vector<16xf32>,
    %add3A_218 = arith.constant 112 : i32
    %add3A_219 = vector.broadcast %add3A_218 : i32 to vector<16xi32>
    %add3A_220 = arith.addi %iota3A, %add3A_219 : vector<16xi32>
    %get3A_221 = arith.constant 368 : index
    %get3A_222 = tpu.vector_load %arg5[%get3A_221] {strides = array<i32>} : memref<512xi32, #tpu.memory_space<vmem>>, vector<16xi32>,
    tpu.vector_store_idx %arg6[%get3A_222, %add3A_220], %broadcast_in_dim3A_3 : memref<1000x128xf32, #tpu.memory_space<vmem>>[vector<16xi32>, vector<16xi32>], vector<16xf32>,
    %add3A_223 = arith.constant 256 : i32
    %add3A_224 = arith.addi %mul3A_2, %add3A_223 : i32
    %dma_start3A_225 = arith.constant 0 : i32
    %dma_start3A_226 = tpu.memref_slice %arg4[%dma_start3A_225, %add3A_224] : memref<1000x16384xf32, #tpu.memory_space<hbm>> -> memref<1000x128xf32, #tpu.memory_space<hbm>>
    %dma_start3A_227 = arith.constant 0 : i32
    %dma_start3A_228 = tpu.memref_slice %arg4[%dma_start3A_227, %add3A_224] : memref<1000x16384xf32, #tpu.memory_space<hbm>> -> memref<1000x128xf32, #tpu.memory_space<hbm>>
    tpu.enqueue_dma source(%arg6 : memref<1000x128xf32, #tpu.memory_space<vmem>>) target(%dma_start3A_228 : memref<1000x128xf32, #tpu.memory_space<hbm>>) target_semaphore(%arg7 : memref<!tpu.dma_semaphore, #tpu.memory_space<semaphore_mem>>)
    %dma_wait3A_229 = arith.constant 0 : i32
    %dma_wait3A_230 = tpu.memref_slice %arg4[%dma_wait3A_229, %add3A_224] : memref<1000x16384xf32, #tpu.memory_space<hbm>> -> memref<1000x128xf32, #tpu.memory_space<hbm>>
    %dma_wait3A_231 = arith.constant 0 : i32
    %dma_wait3A_232 = tpu.memref_slice %arg4[%dma_wait3A_231, %add3A_224] : memref<1000x16384xf32, #tpu.memory_space<hbm>> -> memref<1000x128xf32, #tpu.memory_space<hbm>>
    tpu.wait_dma2 semaphore(%arg7 : memref<!tpu.dma_semaphore, #tpu.memory_space<semaphore_mem>>) src(%arg6 : memref<1000x128xf32, #tpu.memory_space<vmem>>) dst(%dma_wait3A_232 : memref<1000x128xf32, #tpu.memory_space<hbm>>)
    %add3A_233 = arith.constant 0 : i32
    %add3A_234 = vector.broadcast %add3A_233 : i32 to vector<16xi32>
    %add3A_235 = arith.addi %iota3A, %add3A_234 : vector<16xi32>
    %get3A_236 = arith.constant 256 : index
    %get3A_237 = tpu.vector_load %arg5[%get3A_236] {strides = array<i32>} : memref<512xi32, #tpu.memory_space<vmem>>, vector<16xi32>,
    tpu.vector_store_idx %arg6[%get3A_237, %add3A_235], %broadcast_in_dim3A_5 : memref<1000x128xf32, #tpu.memory_space<vmem>>[vector<16xi32>, vector<16xi32>], vector<16xf32>,
    %add3A_238 = arith.constant 16 : i32
    %add3A_239 = vector.broadcast %add3A_238 : i32 to vector<16xi32>
    %add3A_240 = arith.addi %iota3A, %add3A_239 : vector<16xi32>
    %get3A_241 = arith.constant 272 : index
    %get3A_242 = tpu.vector_load %arg5[%get3A_241] {strides = array<i32>} : memref<512xi32, #tpu.memory_space<vmem>>, vector<16xi32>,
    tpu.vector_store_idx %arg6[%get3A_242, %add3A_240], %broadcast_in_dim3A_5 : memref<1000x128xf32, #tpu.memory_space<vmem>>[vector<16xi32>, vector<16xi32>], vector<16xf32>,
    %add3A_243 = arith.constant 32 : i32
    %add3A_244 = vector.broadcast %add3A_243 : i32 to vector<16xi32>
    %add3A_245 = arith.addi %iota3A, %add3A_244 : vector<16xi32>
    %get3A_246 = arith.constant 288 : index
    %get3A_247 = tpu.vector_load %arg5[%get3A_246] {strides = array<i32>} : memref<512xi32, #tpu.memory_space<vmem>>, vector<16xi32>,
    tpu.vector_store_idx %arg6[%get3A_247, %add3A_245], %broadcast_in_dim3A_5 : memref<1000x128xf32, #tpu.memory_space<vmem>>[vector<16xi32>, vector<16xi32>], vector<16xf32>,
    %add3A_248 = arith.constant 48 : i32
    %add3A_249 = vector.broadcast %add3A_248 : i32 to vector<16xi32>
    %add3A_250 = arith.addi %iota3A, %add3A_249 : vector<16xi32>
    %get3A_251 = arith.constant 304 : index
    %get3A_252 = tpu.vector_load %arg5[%get3A_251] {strides = array<i32>} : memref<512xi32, #tpu.memory_space<vmem>>, vector<16xi32>,
    tpu.vector_store_idx %arg6[%get3A_252, %add3A_250], %broadcast_in_dim3A_5 : memref<1000x128xf32, #tpu.memory_space<vmem>>[vector<16xi32>, vector<16xi32>], vector<16xf32>,
    %add3A_253 = arith.constant 64 : i32
    %add3A_254 = vector.broadcast %add3A_253 : i32 to vector<16xi32>
    %add3A_255 = arith.addi %iota3A, %add3A_254 : vector<16xi32>
    %get3A_256 = arith.constant 320 : index
    %get3A_257 = tpu.vector_load %arg5[%get3A_256] {strides = array<i32>} : memref<512xi32, #tpu.memory_space<vmem>>, vector<16xi32>,
    tpu.vector_store_idx %arg6[%get3A_257, %add3A_255], %broadcast_in_dim3A_5 : memref<1000x128xf32, #tpu.memory_space<vmem>>[vector<16xi32>, vector<16xi32>], vector<16xf32>,
    %add3A_258 = arith.constant 80 : i32
    %add3A_259 = vector.broadcast %add3A_258 : i32 to vector<16xi32>
    %add3A_260 = arith.addi %iota3A, %add3A_259 : vector<16xi32>
    %get3A_261 = arith.constant 336 : index
    %get3A_262 = tpu.vector_load %arg5[%get3A_261] {strides = array<i32>} : memref<512xi32, #tpu.memory_space<vmem>>, vector<16xi32>,
    tpu.vector_store_idx %arg6[%get3A_262, %add3A_260], %broadcast_in_dim3A_5 : memref<1000x128xf32, #tpu.memory_space<vmem>>[vector<16xi32>, vector<16xi32>], vector<16xf32>,
    %add3A_263 = arith.constant 96 : i32
    %add3A_264 = vector.broadcast %add3A_263 : i32 to vector<16xi32>
    %add3A_265 = arith.addi %iota3A, %add3A_264 : vector<16xi32>
    %get3A_266 = arith.constant 352 : index
    %get3A_267 = tpu.vector_load %arg5[%get3A_266] {strides = array<i32>} : memref<512xi32, #tpu.memory_space<vmem>>, vector<16xi32>,
    tpu.vector_store_idx %arg6[%get3A_267, %add3A_265], %broadcast_in_dim3A_5 : memref<1000x128xf32, #tpu.memory_space<vmem>>[vector<16xi32>, vector<16xi32>], vector<16xf32>,
    %add3A_268 = arith.constant 112 : i32
    %add3A_269 = vector.broadcast %add3A_268 : i32 to vector<16xi32>
    %add3A_270 = arith.addi %iota3A, %add3A_269 : vector<16xi32>
    %get3A_271 = arith.constant 368 : index
    %get3A_272 = tpu.vector_load %arg5[%get3A_271] {strides = array<i32>} : memref<512xi32, #tpu.memory_space<vmem>>, vector<16xi32>,
    tpu.vector_store_idx %arg6[%get3A_272, %add3A_270], %broadcast_in_dim3A_5 : memref<1000x128xf32, #tpu.memory_space<vmem>>[vector<16xi32>, vector<16xi32>], vector<16xf32>,
    %add3A_273 = arith.constant 0 : i32
    %add3A_274 = vector.broadcast %add3A_273 : i32 to vector<16xi32>
    %add3A_275 = arith.addi %iota3A, %add3A_274 : vector<16xi32>
    %get3A_276 = arith.constant 384 : index
    %get3A_277 = tpu.vector_load %arg5[%get3A_276] {strides = array<i32>} : memref<512xi32, #tpu.memory_space<vmem>>, vector<16xi32>,
    tpu.vector_store_idx %arg6[%get3A_277, %add3A_275], %broadcast_in_dim3A_3 : memref<1000x128xf32, #tpu.memory_space<vmem>>[vector<16xi32>, vector<16xi32>], vector<16xf32>,
    %add3A_278 = arith.constant 16 : i32
    %add3A_279 = vector.broadcast %add3A_278 : i32 to vector<16xi32>
    %add3A_280 = arith.addi %iota3A, %add3A_279 : vector<16xi32>
    %get3A_281 = arith.constant 400 : index
    %get3A_282 = tpu.vector_load %arg5[%get3A_281] {strides = array<i32>} : memref<512xi32, #tpu.memory_space<vmem>>, vector<16xi32>,
    tpu.vector_store_idx %arg6[%get3A_282, %add3A_280], %broadcast_in_dim3A_3 : memref<1000x128xf32, #tpu.memory_space<vmem>>[vector<16xi32>, vector<16xi32>], vector<16xf32>,
    %add3A_283 = arith.constant 32 : i32
    %add3A_284 = vector.broadcast %add3A_283 : i32 to vector<16xi32>
    %add3A_285 = arith.addi %iota3A, %add3A_284 : vector<16xi32>
    %get3A_286 = arith.constant 416 : index
    %get3A_287 = tpu.vector_load %arg5[%get3A_286] {strides = array<i32>} : memref<512xi32, #tpu.memory_space<vmem>>, vector<16xi32>,
    tpu.vector_store_idx %arg6[%get3A_287, %add3A_285], %broadcast_in_dim3A_3 : memref<1000x128xf32, #tpu.memory_space<vmem>>[vector<16xi32>, vector<16xi32>], vector<16xf32>,
    %add3A_288 = arith.constant 48 : i32
    %add3A_289 = vector.broadcast %add3A_288 : i32 to vector<16xi32>
    %add3A_290 = arith.addi %iota3A, %add3A_289 : vector<16xi32>
    %get3A_291 = arith.constant 432 : index
    %get3A_292 = tpu.vector_load %arg5[%get3A_291] {strides = array<i32>} : memref<512xi32, #tpu.memory_space<vmem>>, vector<16xi32>,
    tpu.vector_store_idx %arg6[%get3A_292, %add3A_290], %broadcast_in_dim3A_3 : memref<1000x128xf32, #tpu.memory_space<vmem>>[vector<16xi32>, vector<16xi32>], vector<16xf32>,
    %add3A_293 = arith.constant 64 : i32
    %add3A_294 = vector.broadcast %add3A_293 : i32 to vector<16xi32>
    %add3A_295 = arith.addi %iota3A, %add3A_294 : vector<16xi32>
    %get3A_296 = arith.constant 448 : index
    %get3A_297 = tpu.vector_load %arg5[%get3A_296] {strides = array<i32>} : memref<512xi32, #tpu.memory_space<vmem>>, vector<16xi32>,
    tpu.vector_store_idx %arg6[%get3A_297, %add3A_295], %broadcast_in_dim3A_3 : memref<1000x128xf32, #tpu.memory_space<vmem>>[vector<16xi32>, vector<16xi32>], vector<16xf32>,
    %add3A_298 = arith.constant 80 : i32
    %add3A_299 = vector.broadcast %add3A_298 : i32 to vector<16xi32>
    %add3A_300 = arith.addi %iota3A, %add3A_299 : vector<16xi32>
    %get3A_301 = arith.constant 464 : index
    %get3A_302 = tpu.vector_load %arg5[%get3A_301] {strides = array<i32>} : memref<512xi32, #tpu.memory_space<vmem>>, vector<16xi32>,
    tpu.vector_store_idx %arg6[%get3A_302, %add3A_300], %broadcast_in_dim3A_3 : memref<1000x128xf32, #tpu.memory_space<vmem>>[vector<16xi32>, vector<16xi32>], vector<16xf32>,
    %add3A_303 = arith.constant 96 : i32
    %add3A_304 = vector.broadcast %add3A_303 : i32 to vector<16xi32>
    %add3A_305 = arith.addi %iota3A, %add3A_304 : vector<16xi32>
    %get3A_306 = arith.constant 480 : index
    %get3A_307 = tpu.vector_load %arg5[%get3A_306] {strides = array<i32>} : memref<512xi32, #tpu.memory_space<vmem>>, vector<16xi32>,
    tpu.vector_store_idx %arg6[%get3A_307, %add3A_305], %broadcast_in_dim3A_3 : memref<1000x128xf32, #tpu.memory_space<vmem>>[vector<16xi32>, vector<16xi32>], vector<16xf32>,
    %add3A_308 = arith.constant 112 : i32
    %add3A_309 = vector.broadcast %add3A_308 : i32 to vector<16xi32>
    %add3A_310 = arith.addi %iota3A, %add3A_309 : vector<16xi32>
    %get3A_311 = arith.constant 496 : index
    %get3A_312 = tpu.vector_load %arg5[%get3A_311] {strides = array<i32>} : memref<512xi32, #tpu.memory_space<vmem>>, vector<16xi32>,
    tpu.vector_store_idx %arg6[%get3A_312, %add3A_310], %broadcast_in_dim3A_3 : memref<1000x128xf32, #tpu.memory_space<vmem>>[vector<16xi32>, vector<16xi32>], vector<16xf32>,
    %add3A_313 = arith.constant 384 : i32
    %add3A_314 = arith.addi %mul3A_2, %add3A_313 : i32
    %dma_start3A_315 = arith.constant 0 : i32
    %dma_start3A_316 = tpu.memref_slice %arg4[%dma_start3A_315, %add3A_314] : memref<1000x16384xf32, #tpu.memory_space<hbm>> -> memref<1000x128xf32, #tpu.memory_space<hbm>>
    %dma_start3A_317 = arith.constant 0 : i32
    %dma_start3A_318 = tpu.memref_slice %arg4[%dma_start3A_317, %add3A_314] : memref<1000x16384xf32, #tpu.memory_space<hbm>> -> memref<1000x128xf32, #tpu.memory_space<hbm>>
    tpu.enqueue_dma source(%arg6 : memref<1000x128xf32, #tpu.memory_space<vmem>>) target(%dma_start3A_318 : memref<1000x128xf32, #tpu.memory_space<hbm>>) target_semaphore(%arg7 : memref<!tpu.dma_semaphore, #tpu.memory_space<semaphore_mem>>)
    %dma_wait3A_319 = arith.constant 0 : i32
    %dma_wait3A_320 = tpu.memref_slice %arg4[%dma_wait3A_319, %add3A_314] : memref<1000x16384xf32, #tpu.memory_space<hbm>> -> memref<1000x128xf32, #tpu.memory_space<hbm>>
    %dma_wait3A_321 = arith.constant 0 : i32
    %dma_wait3A_322 = tpu.memref_slice %arg4[%dma_wait3A_321, %add3A_314] : memref<1000x16384xf32, #tpu.memory_space<hbm>> -> memref<1000x128xf32, #tpu.memory_space<hbm>>
    tpu.wait_dma2 semaphore(%arg7 : memref<!tpu.dma_semaphore, #tpu.memory_space<semaphore_mem>>) src(%arg6 : memref<1000x128xf32, #tpu.memory_space<vmem>>) dst(%dma_wait3A_322 : memref<1000x128xf32, #tpu.memory_space<hbm>>)
    return
  }
}

</mosaic_0001>

<sc_bundles>
// kernel: kernel.3.cloned.1.call-start
scs
__scs_entry_jumppad:
0x0: {  	(pc) =	sbr.rel $0x88, $3  }
0x1: {  	(tag) =	ssettag $0x0;
	lr =	simm.s32 $0x1  }
0x2: {  	[smem:$0x3FA0] =	sst lr;
	_ =	strace $0xD0000000  }
0x3: {  	_ = 	snop  }
0x4: {  	_ = 	snop  }
0x5: {  	_ = 	snop  }
0x6: {  	_ = 	snop  }
0x7: {  	_ = 	snop  }
__scs_overlays_trampoline_lowered:
0x8: {  	[smem:$0x3FAF] =	sst s0  }
0x9: {  	[smem:$0x3FB0] =	sst s1  }
0xa: {  	[smem:$0x3FB1] =	sst s2  }
0xb: {  	[smem:$0x3FB2] =	sst s3  }
0xc: {  	[smem:$0x3FB3] =	sst s4  }
0xd: {  	[smem:$0x3FB4] =	sst s5  }
0xe: {  	[smem:$0x3FB5] =	sst s6  }
0xf: {  	[smem:$0x3FB6] =	sst s7  }
0x10: {  	[smem:$0x3FB7] =	sst s8  }
0x11: {  	[smem:$0x3FB8] =	sst s9;
	s0 =	simm.s32 @!p0 $0x0  }
0x12: {  	s1 =	sld [smem:$0x3F9E];
	s0 =	simm.s32 @p0 $0x1  }
0x13: {  	[smem:$0x3FB9] =	sst s0;
	s0 =	simm.s32 @!p1 $0x0  }
0x14: {  	s2 =	sld [smem:$0x3F9D];
	s0 =	simm.s32 @p1 $0x1  }
0x15: {  	[smem:$0x3FBA] =	sst s0;
	s0 =	simm.s32 @!p2 $0x0  }
0x16: {  	s3 =	sld [smem:$0x3FDB];
	s0 =	simm.s32 @p2 $0x1  }
0x17: {  	s4 =	simm.s32 $0x1BF5;
	[smem:$0x3FBC] =	sst s0  }
0x18: {  	s0 =	sld [smem:$0x3F9F];
	_ =	swait.ge [sflag:s4], $0x0  }
0x19: {  	s7 =	sld [smem:$0x3FA0]  }
0x1a: {  	s8 =	sadd.s32 $0xFFFFE003, lr  }
0x1b: {  	s9 =	sadd.s32 $0xFFFFFEF7, lr;
	s5 =	simm.s32 $0xFFFFFFFF;
	p2 =	slt.u32 s8, $0xFFFFF086  }
0x1c: {  	p1 =	slt.u32 s9, $0xF7A;
	s5 =	simm.s32 @!p2 $0x0  }
0x1d: {  	s5 =	simm.s32 @p1 $0x1;
	p0 =	seq.s32 s7, s2  }
0x1e: {  	s7 =	smul.u32 @!p0 $0xF7A, s2;
	p2 =	seq.s32 @!p0 s5, $0x0  }
0x1f: {  	s9 =	smul.u32 $0xF7A, s1;
	s8 =	simm.s32 @!p0 $0x1BF5;
	p2 =	por !p2, p0  }
0x20: {  	[sflag:s8] =	ssyncset.s32 @!p0 $0xFFFFF086;
	s6 =	sadd.s32 @!p0 s3, s7;
	s7 =	simm.s32 @!p0 $0x108  }
0x21: {  	s3 =	sadd.s32 s3, s9;
	s6 =	sadd.s32 @!p0 $0x88, s6;
	s7 =	simm.s32 @p2 $0x1082  }
0x22: {  	[simem:s7], [sflag:s8] =	dma.local @!p0 [hbm:s6], $0xF7A  }
0x23: {  	s9 =	sor.u32 $0xD0000000, s2;
	s6 =	simm.s32 $0x108;
	_ =	swait.ge @!p0 [sflag:s8], $0x0  }
0x24: {  	s3 =	sadd.s32 $0x88, s3;
	s6 =	simm.s32 @!p1 $0x1082;
	[sflag:s4] =	ssyncset.s32 $0xFFFFF086  }
0x25: {  	[simem:s6], [sflag:s4] =	dma.local [hbm:s3], $0xF7A  }
0x26: {  	[smem:$0x3FA0] =	sst s1;
	(tag) =	ssettag s2;
	_ =	strace s9  }
0x27: {  	s1 =	sld [smem:$0x3FB0]  }
0x28: {  	s2 =	sld [smem:$0x3FB1]  }
0x29: {  	s4 =	sld [smem:$0x3FB3]  }
0x2a: {  	p0 =	seq.s32 s5, $0x0;
	s5 =	sld [smem:$0x3FB4]  }
0x2b: {  	s6 =	sld [smem:$0x3FB5]  }
0x2c: {  	s7 =	sld [smem:$0x3FB6]  }
0x2d: {  	s3 =	simm.s32 $0x108;
	s8 =	sld [smem:$0x3FB7]  }
0x2e: {  	s3 =	simm.s32 @!p0 $0x1082;
	s9 =	sld [smem:$0x3FB8]  }
0x2f: {  	lr =	sadd.s32 s0, s3;
	s0 =	sld [smem:$0x3FAF]  }
0x30: {  	s3 =	sld [smem:$0x3FB2]  }
0x31: {  	[smem:$0x3FBB] =	sst s10  }
0x32: {  	s10 =	sld [smem:$0x3FB9];
	_ =	sdelay $0x3  }
0x33: {  	p0 =	seq.s32 s10, $0x1;
	s10 =	sld [smem:$0x3FBB];
	_ =	sdelay $0x3  }
0x34: {  	[smem:$0x3FBB] =	sst s10  }
0x35: {  	s10 =	sld [smem:$0x3FBA];
	_ =	sdelay $0x3  }
0x36: {  	p1 =	seq.s32 s10, $0x1;
	s10 =	sld [smem:$0x3FBB];
	_ =	sdelay $0x3  }
0x37: {  	[smem:$0x3FBB] =	sst s10  }
0x38: {  	s10 =	sld [smem:$0x3FBC]  }
0x39: {  	_ = 	snop;
	(pc) =	sbr.ind lr, $3  }
0x3a: {  	_ = 	snop  }
0x3b: {  	_ = 	snop  }
0x3c: {  	p2 =	seq.s32 s10, $0x1;
	s10 =	sld [smem:$0x3FBB]  }
0x3d: {  	_ =	shalt  }
0x3e: {  	_ =	shalt  }
0x3f: {  	_ =	shalt  }
0x40: {  	_ =	shalt  }
0x41: {  	_ =	shalt  }
0x42: {  	_ =	shalt  }
0x43: {  	_ =	shalt  }
0x44: {  	_ =	shalt  }
0x45: {  	_ =	shalt  }
0x46: {  	_ =	shalt  }
0x47: {  	_ =	shalt  }
0x48: {  	_ =	shalt  }
0x49: {  	_ =	shalt  }
0x4a: {  	_ =	shalt  }
0x4b: {  	_ =	shalt  }
0x4c: {  	_ =	shalt  }
0x4d: {  	_ =	shalt  }
0x4e: {  	_ =	shalt  }
0x4f: {  	_ =	shalt  }
0x50: {  	_ =	shalt  }
0x51: {  	_ =	shalt  }
0x52: {  	_ =	shalt  }
0x53: {  	_ =	shalt  }
0x54: {  	_ =	shalt  }
0x55: {  	_ =	shalt  }
0x56: {  	_ =	shalt  }
0x57: {  	_ =	shalt  }
0x58: {  	_ =	shalt  }
0x59: {  	_ =	shalt  }
0x5a: {  	_ =	shalt  }
0x5b: {  	_ =	shalt  }
0x5c: {  	_ =	shalt  }
0x5d: {  	_ =	shalt  }
0x5e: {  	_ =	shalt  }
0x5f: {  	_ =	shalt  }
0x60: {  	_ =	shalt  }
0x61: {  	_ =	shalt  }
0x62: {  	_ =	shalt  }
0x63: {  	_ =	shalt  }
0x64: {  	_ =	shalt  }
0x65: {  	_ =	shalt  }
0x66: {  	_ =	shalt  }
0x67: {  	_ =	shalt  }
0x68: {  	_ =	shalt  }
0x69: {  	_ =	shalt  }
0x6a: {  	_ =	shalt  }
0x6b: {  	_ =	shalt  }
0x6c: {  	_ =	shalt  }
0x6d: {  	_ =	shalt  }
0x6e: {  	_ =	shalt  }
0x6f: {  	_ =	shalt  }
0x70: {  	_ =	shalt  }
0x71: {  	_ =	shalt  }
0x72: {  	_ =	shalt  }
0x73: {  	_ =	shalt  }
0x74: {  	_ =	shalt  }
0x75: {  	_ =	shalt  }
0x76: {  	_ =	shalt  }
0x77: {  	_ =	shalt  }
0x78: {  	_ =	shalt  }
0x79: {  	_ =	shalt  }
0x7a: {  	_ =	shalt  }
0x7b: {  	_ =	shalt  }
0x7c: {  	_ =	shalt  }
0x7d: {  	_ =	shalt  }
0x7e: {  	_ =	shalt  }
0x7f: {  	_ =	shalt  }
0x80: {  	_ =	shalt  }
0x81: {  	_ =	shalt  }
0x82: {  	_ =	shalt  }
0x83: {  	_ =	shalt  }
0x84: {  	_ =	shalt  }
0x85: {  	_ =	shalt  }
0x86: {  	_ =	shalt  }
0x87: {  	_ =	shalt  }
.Lfunc_end0:
.L_simem_size_0:
called_computation_lowered:
.L_overlay_start_0:
0x88: {  	s2 =	sld [smem:$0x3FD9]  }
0x89: {  	s3 =	sld [smem:$0x3FFE];
	_ =	sdelay $0x1  }
0x8a: {  	s1 =	srdreg.scid  }
0x8b: {  	s0 =	sand.u32 $0x1, s1  }
0x8c: {  	s17 =	sshll.u32 s0, $0xA;
	s2 =	sadd.s32 s3, s2  }
0x8d: {  	s2 =	sadd.s32 s2, s17  }
0x8e: {  	[smem:$0x3FC7] =	sst s2  }
0x8f: {  	_ = 	snop  }
0x90: {  	s2 =	sld [smem:$0x3FC9]  }
0x91: {  	s18 =	sld [smem:$0x3FD0];
	(tm) =	ssettm $0x1  }
0x92: {  	s4 =	sld [smem:$0x3FFB];
	_ =	sdelay $0x3  }
0x93: {  	_ =	strace s4  }
0x94: {  	s4 =	sld [smem:$0x3FFC];
	_ =	sdelay $0x3  }
0x95: {  	_ =	strace s4  }
0x96: {  	s4 =	sld [smem:$0x3FFD];
	_ =	sdelay $0x3  }
0x97: {  	_ =	strace s4  }
0x98: {  	_ =	strace $0x8FFFFFFF  }
0x99: {  	s19 =	sld [smem:$0x3FDB];
	_ =	sdelay $0x1  }
0x9a: {  	s5 =	simm.s32 $_scs_section_size  }
0x9b: {  	s6 =	simm.s32 $_size__tile_overlayer_lowered;
	s7 =	simm.s32 $_tile_overlayer_lowered  }
0x9c: {  	s22 =	simm.s32 $0x1BFF;
	s21 =	sshll.u32 s7, $0x1;
	s4 =	sadd.s32 s5, s19  }
0x9d: {  	s8 =	simm.s32 $0x0;
	s20 =	sshll.u32 s6, $0x1;
	s6 =	sadd.s32 s21, s4  }
0x9e: {  	[timem:s8], [sflag:s22] =	dma.local [hbm:s6], s20  }
0x9f: {  	_ =	swait.ge [sflag:s22], s20  }
0xa0: {  	s5 =	ssub.s32 $0x0, s20;
	[sflag:s22] =	ssyncset.done $0x0  }
0xa1: {  	[sflag:s22] =	ssyncadd.s32 s5;
	_ =	sdelay $0x1  }
0xa2: {  	s23 =	simm.s32 $0x1B8B  }
0xa3: {  	_ =	swait.ge [sflag:s23], $0x1  }
0xa4: {  	[sflag:s23] =	ssyncset.done $0x0  }
0xa5: {  	s25 =	simm.s32 $0x1B8E;
	s24 =	sld [smem:$0x3FFE];
	[sflag:s23] =	ssyncadd.s32 $0xFFFFFFFF  }
0xa6: {  	s26 =	simm.s32 $execute0_lowered;
	[smem:$0x3FD2] =	sst s25  }
0xa7: {  	s6 =	sshll.u32 s26, $0x1;
	_ =	strace $0x80000046;
	[dreg:$0x1] =	wrdreg $0xFFFFFFFF  }
0xa8: {  	s28 =	simm.s32 $_size_execute0_lowered;
	s4 =	sadd.s32 s4, s6;
	[dreg:$0x0] =	wrdreg $0x0  }
0xa9: {  	s6 =	sshll.u32 s28, $0x1;
	[dreg:$0x2] =	wrdreg s4  }
0xaa: {  	[dreg:$0x3] =	wrdreg s6  }
0xab: {  	[dreg:$0x4] =	wrdreg $0xC0  }
0xac: {  	_ =	task [dreg:s8], $0x5FFFF  }
0xad: {  	[dreg:$0x1] =	wrdreg $0xFFFFFFFF  }
0xae: {  	[dreg:$0x0] =	wrdreg $0x60  }
0xaf: {  	[dreg:$0x2] =	wrdreg s2  }
0xb0: {  	[dreg:$0x3] =	wrdreg s24  }
0xb1: {  	[dreg:$0x4] =	wrdreg s18  }
0xb2: {  	[dreg:$0x5] =	wrdreg $0x9  }
0xb3: {  	_ =	task.clear_ibuf [dreg:s8], $0x6FFFF;
	_ =	strace $0x90000046  }
0xb4: {  	s29 =	simm.s32 $0x9;
	_ =	strace $0x80000048  }
0xb5: {  	_ =	swait.ge [sflag:s29], $0x1  }
0xb6: {  	[sflag:s29] =	ssyncadd.s32 $0xFFFFFFFF  }
0xb7: {  	_ =	strace $0x90000048  }
0xb8: {  	_ =	sfence  }
0xb9: {  	s30 =	sld [smem:$0x0];
	_ =	sdelay $0x2  }
0xba: {  	s31 =	sshll.u32 s1, $0xD;
	s1 =	sshrl.u32 s1, $0x2  }
0xbb: {  	s3 =	sand.u32 $0x4000, s31;
	s1 =	sadd.s32 s1, s30  }
0xbc: {  	s0 =	sor.u32 s3, s0;
	s1 =	sshll.u32 s1, $0x11  }
0xbd: {  	s0 =	sor.u32 s1, s0  }
0xbe: {  	s0 =	sadd.s32 $0x8F2B, s0  }
0xbf: {  	[sflag:s0] =	ssyncadd.remote.s32 $0x1  }
0xc0: {  	_ =	sfence.sel $0xFFFF  }
0xc1: {  	[dreg:$0x0] =	wrdreg $0xFFFFFFFF;
	(pc) =	sbr.abs _section_cstart, $3  }
0xc2: {  	[dreg:$0x1] =	wrdreg $0xFFFFFFFF  }
0xc3: {  	_ =	task.clear_ibuf [dreg:s8], $0x2FFFF;
	_ =	strace $0x9FFFFFFF  }
0xc4: {  	(tm) =	ssettm $0x7FFFFFFF  }
0xc5: {  	_ =	shalt  }
tec
execute0_lowered:
.L_overlay_start_1:
0x0: {  	(tag) =	ssettag $0x1  }
0x1: {  	s5 =	rddreg [dreg:$0x0]  }
0x2: {  	s3 =	rddreg [dreg:$0x1]  }
0x3: {  	s4 =	rddreg [dreg:$0x2]  }
0x4: {  	s0 =	rddreg [dreg:$0x3];
	s2 =	simm.s32 $0x0;
	s6 =	srdreg.scid  }
0x5: {  	s1 =	stileid.u32;
	s11 =	simm.s32 $0x3;
	s12 =	simm.s32 $0x2  }
0x6: {  	s13 =	simm.s32 $0x400;
	s14 =	simm.s32 $0x20000;
	s15 =	simm.s32 $0x1  }
0x7: {  	[smem:$0x7FF] =	sst s2;
	s6 =	sand.u32 $0x1, s6;
	s7 =	sshll.u32 s1, $0xA  }
0x8: {  	s3 =	sadd.s32 $0x400, s3;
	s8 =	sshll.u32 s6, $0x9;
	s6 =	ssub.s32 $0x2, s6  }
0x9: {  	v0 =	vlaneseq.u32;
	_ =	strace $0x80000047;
	s7 =	sor.u32 s8, s7;
	s31 =	sshrl.u32 s6, $0x1  }
0xa: {  	v1 =	vimm.f32 $1.000000000e+00;
	v9 =	vimm.f32 $0.0e+00;
	v2 =	vor.u32 $0x10, v0;
	s9 =	sshrl.u32 s7, $0x3;
	s4 =	sadd.s32 s4, s7;
	s10 =	ssub.s32 s6, s31  }
0xb: {  	v3 =	vor.u32 $0x20, v0;
	v4 =	vor.u32 $0x30, v0;
	v5 =	vor.u32 $0x40, v0;
	s5 =	sadd.s32 s5, s9;
	s6 =	sadd.s32 $0x80, s4;
	s7 =	sadd.s32 $0x100, s4  }
0xc: {  	v6 =	vor.u32 $0x50, v0;
	v7 =	vor.u32 $0x60, v0;
	v8 =	vor.u32 $0x70, v0;
	s8 =	sadd.s32 $0x180, s4;
	s9 =	smax.u32 s10, $0x1;
	s10 =	simm.s32 $0x200  }
.LBB2_1:
0xd: {  	[tilespmem:s10], [sflag:$0x2] =	stream.linear.gather [hbm4b:s3+s2], $0x1F400, $0x38;
	[tilespmem:$0x1F600] =	vst v63  }
0xe: {  	_ = 	snop  }
0xf: {  	[tilespmem:s2], [sflag:$0x3] =	stream.linear.gather [hbm4b:s5+s2], $0x200, $0x38;
	[tilespmem:$0x1F600] =	vst v63  }
0x10: {  	_ =	swait.ge [sflag:s11], $0x200  }
0x11: {  	[sflag:s11] =	ssyncset.done $0x0  }
0x12: {  	[sflag:s11] =	ssyncadd.s32 $0xFFFFFE00  }
0x13: {  	_ =	swait.ge [sflag:s12], $0x1F400  }
0x14: {  	[sflag:s12] =	ssyncset.done $0x0  }
0x15: {  	[sflag:s12] =	ssyncadd.s32 $0xFFFE0C00  }
0x16: {  	v10 =	vld [tilespmem:$0x0];
	_ =	sdelay $0x4  }
0x17: {  	v10 =	vshll.u32 v10, $0x7  }
0x18: {  	v10 =	vor.u32 v0, v10;
	_ =	sdelay $0x4  }
0x19: {  	[tilespmem:v10+s10+$0x0] =	vst.idx.msk $0xffff, v1  }
0x1a: {  	v10 =	vld [tilespmem:$0x10];
	_ =	sdelay $0x4  }
0x1b: {  	v10 =	vshll.u32 v10, $0x7  }
0x1c: {  	v10 =	vor.u32 v2, v10;
	_ =	sdelay $0x4  }
0x1d: {  	[tilespmem:v10+s10+$0x0] =	vst.idx.msk $0xffff, v1  }
0x1e: {  	v10 =	vld [tilespmem:$0x20];
	_ =	sdelay $0x4  }
0x1f: {  	v10 =	vshll.u32 v10, $0x7  }
0x20: {  	v10 =	vor.u32 v3, v10;
	_ =	sdelay $0x4  }
0x21: {  	[tilespmem:v10+s10+$0x0] =	vst.idx.msk $0xffff, v1  }
0x22: {  	v10 =	vld [tilespmem:$0x30];
	_ =	sdelay $0x4  }
0x23: {  	v10 =	vshll.u32 v10, $0x7  }
0x24: {  	v10 =	vor.u32 v4, v10;
	_ =	sdelay $0x4  }
0x25: {  	[tilespmem:v10+s10+$0x0] =	vst.idx.msk $0xffff, v1  }
0x26: {  	v10 =	vld [tilespmem:$0x40];
	_ =	sdelay $0x4  }
0x27: {  	v10 =	vshll.u32 v10, $0x7  }
0x28: {  	v10 =	vor.u32 v5, v10;
	_ =	sdelay $0x4  }
0x29: {  	[tilespmem:v10+s10+$0x0] =	vst.idx.msk $0xffff, v1  }
0x2a: {  	v10 =	vld [tilespmem:$0x50];
	_ =	sdelay $0x4  }
0x2b: {  	v10 =	vshll.u32 v10, $0x7  }
0x2c: {  	v10 =	vor.u32 v6, v10;
	_ =	sdelay $0x4  }
0x2d: {  	[tilespmem:v10+s10+$0x0] =	vst.idx.msk $0xffff, v1  }
0x2e: {  	v10 =	vld [tilespmem:$0x60];
	_ =	sdelay $0x4  }
0x2f: {  	v10 =	vshll.u32 v10, $0x7  }
0x30: {  	v10 =	vor.u32 v7, v10;
	_ =	sdelay $0x4  }
0x31: {  	[tilespmem:v10+s10+$0x0] =	vst.idx.msk $0xffff, v1  }
0x32: {  	v10 =	vld [tilespmem:$0x70];
	_ =	sdelay $0x4  }
0x33: {  	v10 =	vshll.u32 v10, $0x7  }
0x34: {  	v10 =	vor.u32 v8, v10;
	_ =	sdelay $0x4  }
0x35: {  	[tilespmem:v10+s10+$0x0] =	vst.idx.msk $0xffff, v1  }
0x36: {  	[hbm4b:s4+s13] =	stream.strided.scatter [tilespmem:s10], [sflag:$0x1], $0x1F400, s14, s13, $0x38;
	[tilespmem:$0x1F600] =	vst v63  }
0x37: {  	_ =	swait.ge [sflag:s15], $0x1F400  }
0x38: {  	[sflag:s15] =	ssyncset.done $0x0  }
0x39: {  	[sflag:s15] =	ssyncadd.s32 $0xFFFE0C00  }
0x3a: {  	v10 =	vld [tilespmem:$0x0];
	_ =	sdelay $0x4  }
0x3b: {  	v10 =	vshll.u32 v10, $0x7  }
0x3c: {  	v10 =	vor.u32 v0, v10;
	_ =	sdelay $0x4  }
0x3d: {  	[tilespmem:v10+s10+$0x0] =	vst.idx.msk $0xffff, v9  }
0x3e: {  	v10 =	vld [tilespmem:$0x10];
	_ =	sdelay $0x4  }
0x3f: {  	v10 =	vshll.u32 v10, $0x7  }
0x40: {  	v10 =	vor.u32 v2, v10;
	_ =	sdelay $0x4  }
0x41: {  	[tilespmem:v10+s10+$0x0] =	vst.idx.msk $0xffff, v9  }
0x42: {  	v10 =	vld [tilespmem:$0x20];
	_ =	sdelay $0x4  }
0x43: {  	v10 =	vshll.u32 v10, $0x7  }
0x44: {  	v10 =	vor.u32 v3, v10;
	_ =	sdelay $0x4  }
0x45: {  	[tilespmem:v10+s10+$0x0] =	vst.idx.msk $0xffff, v9  }
0x46: {  	v10 =	vld [tilespmem:$0x30];
	_ =	sdelay $0x4  }
0x47: {  	v10 =	vshll.u32 v10, $0x7  }
0x48: {  	v10 =	vor.u32 v4, v10;
	_ =	sdelay $0x4  }
0x49: {  	[tilespmem:v10+s10+$0x0] =	vst.idx.msk $0xffff, v9  }
0x4a: {  	v10 =	vld [tilespmem:$0x40];
	_ =	sdelay $0x4  }
0x4b: {  	v10 =	vshll.u32 v10, $0x7  }
0x4c: {  	v10 =	vor.u32 v5, v10;
	_ =	sdelay $0x4  }
0x4d: {  	[tilespmem:v10+s10+$0x0] =	vst.idx.msk $0xffff, v9  }
0x4e: {  	v10 =	vld [tilespmem:$0x50];
	_ =	sdelay $0x4  }
0x4f: {  	v10 =	vshll.u32 v10, $0x7  }
0x50: {  	v10 =	vor.u32 v6, v10;
	_ =	sdelay $0x4  }
0x51: {  	[tilespmem:v10+s10+$0x0] =	vst.idx.msk $0xffff, v9  }
0x52: {  	v10 =	vld [tilespmem:$0x60];
	_ =	sdelay $0x4  }
0x53: {  	v10 =	vshll.u32 v10, $0x7  }
0x54: {  	v10 =	vor.u32 v7, v10;
	_ =	sdelay $0x4  }
0x55: {  	[tilespmem:v10+s10+$0x0] =	vst.idx.msk $0xffff, v9  }
0x56: {  	v10 =	vld [tilespmem:$0x70];
	_ =	sdelay $0x4  }
0x57: {  	v10 =	vshll.u32 v10, $0x7  }
0x58: {  	v10 =	vor.u32 v8, v10;
	_ =	sdelay $0x4  }
0x59: {  	[tilespmem:v10+s10+$0x0] =	vst.idx.msk $0xffff, v9  }
0x5a: {  	v10 =	vld [tilespmem:$0x80];
	_ =	sdelay $0x4  }
0x5b: {  	v10 =	vshll.u32 v10, $0x7  }
0x5c: {  	v10 =	vor.u32 v0, v10;
	_ =	sdelay $0x4  }
0x5d: {  	[tilespmem:v10+s10+$0x0] =	vst.idx.msk $0xffff, v1  }
0x5e: {  	v10 =	vld [tilespmem:$0x90];
	_ =	sdelay $0x4  }
0x5f: {  	v10 =	vshll.u32 v10, $0x7  }
0x60: {  	v10 =	vor.u32 v2, v10;
	_ =	sdelay $0x4  }
0x61: {  	[tilespmem:v10+s10+$0x0] =	vst.idx.msk $0xffff, v1  }
0x62: {  	v10 =	vld [tilespmem:$0xA0];
	_ =	sdelay $0x4  }
0x63: {  	v10 =	vshll.u32 v10, $0x7  }
0x64: {  	v10 =	vor.u32 v3, v10;
	_ =	sdelay $0x4  }
0x65: {  	[tilespmem:v10+s10+$0x0] =	vst.idx.msk $0xffff, v1  }
0x66: {  	v10 =	vld [tilespmem:$0xB0];
	_ =	sdelay $0x4  }
0x67: {  	v10 =	vshll.u32 v10, $0x7  }
0x68: {  	v10 =	vor.u32 v4, v10;
	_ =	sdelay $0x4  }
0x69: {  	[tilespmem:v10+s10+$0x0] =	vst.idx.msk $0xffff, v1  }
0x6a: {  	v10 =	vld [tilespmem:$0xC0];
	_ =	sdelay $0x4  }
0x6b: {  	v10 =	vshll.u32 v10, $0x7  }
0x6c: {  	v10 =	vor.u32 v5, v10;
	_ =	sdelay $0x4  }
0x6d: {  	[tilespmem:v10+s10+$0x0] =	vst.idx.msk $0xffff, v1  }
0x6e: {  	v10 =	vld [tilespmem:$0xD0];
	_ =	sdelay $0x4  }
0x6f: {  	v10 =	vshll.u32 v10, $0x7  }
0x70: {  	v10 =	vor.u32 v6, v10;
	_ =	sdelay $0x4  }
0x71: {  	[tilespmem:v10+s10+$0x0] =	vst.idx.msk $0xffff, v1  }
0x72: {  	v10 =	vld [tilespmem:$0xE0];
	_ =	sdelay $0x4  }
0x73: {  	v10 =	vshll.u32 v10, $0x7  }
0x74: {  	v10 =	vor.u32 v7, v10;
	_ =	sdelay $0x4  }
0x75: {  	[tilespmem:v10+s10+$0x0] =	vst.idx.msk $0xffff, v1  }
0x76: {  	v10 =	vld [tilespmem:$0xF0];
	_ =	sdelay $0x4  }
0x77: {  	v10 =	vshll.u32 v10, $0x7  }
0x78: {  	v10 =	vor.u32 v8, v10;
	_ =	sdelay $0x4  }
0x79: {  	[tilespmem:v10+s10+$0x0] =	vst.idx.msk $0xffff, v1  }
0x7a: {  	[hbm4b:s6+s13] =	stream.strided.scatter [tilespmem:s10], [sflag:$0x1], $0x1F400, s14, s13, $0x38;
	[tilespmem:$0x1F600] =	vst v63  }
0x7b: {  	_ =	swait.ge [sflag:s15], $0x1F400  }
0x7c: {  	[sflag:s15] =	ssyncset.done $0x0  }
0x7d: {  	[sflag:s15] =	ssyncadd.s32 $0xFFFE0C00  }
0x7e: {  	v10 =	vld [tilespmem:$0x80];
	_ =	sdelay $0x4  }
0x7f: {  	v10 =	vshll.u32 v10, $0x7  }
0x80: {  	v10 =	vor.u32 v0, v10;
	_ =	sdelay $0x4  }
0x81: {  	[tilespmem:v10+s10+$0x0] =	vst.idx.msk $0xffff, v9  }
0x82: {  	v10 =	vld [tilespmem:$0x90];
	_ =	sdelay $0x4  }
0x83: {  	v10 =	vshll.u32 v10, $0x7  }
0x84: {  	v10 =	vor.u32 v2, v10;
	_ =	sdelay $0x4  }
0x85: {  	[tilespmem:v10+s10+$0x0] =	vst.idx.msk $0xffff, v9  }
0x86: {  	v10 =	vld [tilespmem:$0xA0];
	_ =	sdelay $0x4  }
0x87: {  	v10 =	vshll.u32 v10, $0x7  }
0x88: {  	v10 =	vor.u32 v3, v10;
	_ =	sdelay $0x4  }
0x89: {  	[tilespmem:v10+s10+$0x0] =	vst.idx.msk $0xffff, v9  }
0x8a: {  	v10 =	vld [tilespmem:$0xB0];
	_ =	sdelay $0x4  }
0x8b: {  	v10 =	vshll.u32 v10, $0x7  }
0x8c: {  	v10 =	vor.u32 v4, v10;
	_ =	sdelay $0x4  }
0x8d: {  	[tilespmem:v10+s10+$0x0] =	vst.idx.msk $0xffff, v9  }
0x8e: {  	v10 =	vld [tilespmem:$0xC0];
	_ =	sdelay $0x4  }
0x8f: {  	v10 =	vshll.u32 v10, $0x7  }
0x90: {  	v10 =	vor.u32 v5, v10;
	_ =	sdelay $0x4  }
0x91: {  	[tilespmem:v10+s10+$0x0] =	vst.idx.msk $0xffff, v9  }
0x92: {  	v10 =	vld [tilespmem:$0xD0];
	_ =	sdelay $0x4  }
0x93: {  	v10 =	vshll.u32 v10, $0x7  }
0x94: {  	v10 =	vor.u32 v6, v10;
	_ =	sdelay $0x4  }
0x95: {  	[tilespmem:v10+s10+$0x0] =	vst.idx.msk $0xffff, v9  }
0x96: {  	v10 =	vld [tilespmem:$0xE0];
	_ =	sdelay $0x4  }
0x97: {  	v10 =	vshll.u32 v10, $0x7  }
0x98: {  	v10 =	vor.u32 v7, v10;
	_ =	sdelay $0x4  }
0x99: {  	[tilespmem:v10+s10+$0x0] =	vst.idx.msk $0xffff, v9  }
0x9a: {  	v10 =	vld [tilespmem:$0xF0];
	_ =	sdelay $0x4  }
0x9b: {  	v10 =	vshll.u32 v10, $0x7  }
0x9c: {  	v10 =	vor.u32 v8, v10;
	_ =	sdelay $0x4  }
0x9d: {  	[tilespmem:v10+s10+$0x0] =	vst.idx.msk $0xffff, v9  }
0x9e: {  	v10 =	vld [tilespmem:$0x100];
	_ =	sdelay $0x4  }
0x9f: {  	v10 =	vshll.u32 v10, $0x7  }
0xa0: {  	v10 =	vor.u32 v0, v10;
	_ =	sdelay $0x4  }
0xa1: {  	[tilespmem:v10+s10+$0x0] =	vst.idx.msk $0xffff, v1  }
0xa2: {  	v10 =	vld [tilespmem:$0x110];
	_ =	sdelay $0x4  }
0xa3: {  	v10 =	vshll.u32 v10, $0x7  }
0xa4: {  	v10 =	vor.u32 v2, v10;
	_ =	sdelay $0x4  }
0xa5: {  	[tilespmem:v10+s10+$0x0] =	vst.idx.msk $0xffff, v1  }
0xa6: {  	v10 =	vld [tilespmem:$0x120];
	_ =	sdelay $0x4  }
0xa7: {  	v10 =	vshll.u32 v10, $0x7  }
0xa8: {  	v10 =	vor.u32 v3, v10;
	_ =	sdelay $0x4  }
0xa9: {  	[tilespmem:v10+s10+$0x0] =	vst.idx.msk $0xffff, v1  }
0xaa: {  	v10 =	vld [tilespmem:$0x130];
	_ =	sdelay $0x4  }
0xab: {  	v10 =	vshll.u32 v10, $0x7  }
0xac: {  	v10 =	vor.u32 v4, v10;
	_ =	sdelay $0x4  }
0xad: {  	[tilespmem:v10+s10+$0x0] =	vst.idx.msk $0xffff, v1  }
0xae: {  	v10 =	vld [tilespmem:$0x140];
	_ =	sdelay $0x4  }
0xaf: {  	v10 =	vshll.u32 v10, $0x7  }
0xb0: {  	v10 =	vor.u32 v5, v10;
	_ =	sdelay $0x4  }
0xb1: {  	[tilespmem:v10+s10+$0x0] =	vst.idx.msk $0xffff, v1  }
0xb2: {  	v10 =	vld [tilespmem:$0x150];
	_ =	sdelay $0x4  }
0xb3: {  	v10 =	vshll.u32 v10, $0x7  }
0xb4: {  	v10 =	vor.u32 v6, v10;
	_ =	sdelay $0x4  }
0xb5: {  	[tilespmem:v10+s10+$0x0] =	vst.idx.msk $0xffff, v1  }
0xb6: {  	v10 =	vld [tilespmem:$0x160];
	_ =	sdelay $0x4  }
0xb7: {  	v10 =	vshll.u32 v10, $0x7  }
0xb8: {  	v10 =	vor.u32 v7, v10;
	_ =	sdelay $0x4  }
0xb9: {  	[tilespmem:v10+s10+$0x0] =	vst.idx.msk $0xffff, v1  }
0xba: {  	v10 =	vld [tilespmem:$0x170];
	_ =	sdelay $0x4  }
0xbb: {  	v10 =	vshll.u32 v10, $0x7  }
0xbc: {  	v10 =	vor.u32 v8, v10;
	_ =	sdelay $0x4  }
0xbd: {  	[tilespmem:v10+s10+$0x0] =	vst.idx.msk $0xffff, v1  }
0xbe: {  	[hbm4b:s7+s13] =	stream.strided.scatter [tilespmem:s10], [sflag:$0x1], $0x1F400, s14, s13, $0x38;
	[tilespmem:$0x1F600] =	vst v63  }
0xbf: {  	_ =	swait.ge [sflag:s15], $0x1F400  }
0xc0: {  	[sflag:s15] =	ssyncset.done $0x0  }
0xc1: {  	[sflag:s15] =	ssyncadd.s32 $0xFFFE0C00  }
0xc2: {  	v10 =	vld [tilespmem:$0x100];
	_ =	sdelay $0x4  }
0xc3: {  	v10 =	vshll.u32 v10, $0x7  }
0xc4: {  	v10 =	vor.u32 v0, v10;
	_ =	sdelay $0x4  }
0xc5: {  	[tilespmem:v10+s10+$0x0] =	vst.idx.msk $0xffff, v9  }
0xc6: {  	v10 =	vld [tilespmem:$0x110];
	_ =	sdelay $0x4  }
0xc7: {  	v10 =	vshll.u32 v10, $0x7  }
0xc8: {  	v10 =	vor.u32 v2, v10;
	_ =	sdelay $0x4  }
0xc9: {  	[tilespmem:v10+s10+$0x0] =	vst.idx.msk $0xffff, v9  }
0xca: {  	v10 =	vld [tilespmem:$0x120];
	_ =	sdelay $0x4  }
0xcb: {  	v10 =	vshll.u32 v10, $0x7  }
0xcc: {  	v10 =	vor.u32 v3, v10;
	_ =	sdelay $0x4  }
0xcd: {  	[tilespmem:v10+s10+$0x0] =	vst.idx.msk $0xffff, v9  }
0xce: {  	v10 =	vld [tilespmem:$0x130];
	_ =	sdelay $0x4  }
0xcf: {  	v10 =	vshll.u32 v10, $0x7  }
0xd0: {  	v10 =	vor.u32 v4, v10;
	_ =	sdelay $0x4  }
0xd1: {  	[tilespmem:v10+s10+$0x0] =	vst.idx.msk $0xffff, v9  }
0xd2: {  	v10 =	vld [tilespmem:$0x140];
	_ =	sdelay $0x4  }
0xd3: {  	v10 =	vshll.u32 v10, $0x7  }
0xd4: {  	v10 =	vor.u32 v5, v10;
	_ =	sdelay $0x4  }
0xd5: {  	[tilespmem:v10+s10+$0x0] =	vst.idx.msk $0xffff, v9  }
0xd6: {  	v10 =	vld [tilespmem:$0x150];
	_ =	sdelay $0x4  }
0xd7: {  	v10 =	vshll.u32 v10, $0x7  }
0xd8: {  	v10 =	vor.u32 v6, v10;
	_ =	sdelay $0x4  }
0xd9: {  	[tilespmem:v10+s10+$0x0] =	vst.idx.msk $0xffff, v9  }
0xda: {  	v10 =	vld [tilespmem:$0x160];
	_ =	sdelay $0x4  }
0xdb: {  	v10 =	vshll.u32 v10, $0x7  }
0xdc: {  	v10 =	vor.u32 v7, v10;
	_ =	sdelay $0x4  }
0xdd: {  	[tilespmem:v10+s10+$0x0] =	vst.idx.msk $0xffff, v9  }
0xde: {  	v10 =	vld [tilespmem:$0x170];
	_ =	sdelay $0x4  }
0xdf: {  	v10 =	vshll.u32 v10, $0x7  }
0xe0: {  	v10 =	vor.u32 v8, v10;
	_ =	sdelay $0x4  }
0xe1: {  	[tilespmem:v10+s10+$0x0] =	vst.idx.msk $0xffff, v9  }
0xe2: {  	v10 =	vld [tilespmem:$0x180];
	_ =	sdelay $0x4  }
0xe3: {  	v10 =	vshll.u32 v10, $0x7  }
0xe4: {  	v10 =	vor.u32 v0, v10;
	_ =	sdelay $0x4  }
0xe5: {  	[tilespmem:v10+s10+$0x0] =	vst.idx.msk $0xffff, v1  }
0xe6: {  	v10 =	vld [tilespmem:$0x190];
	_ =	sdelay $0x4  }
0xe7: {  	v10 =	vshll.u32 v10, $0x7  }
0xe8: {  	v10 =	vor.u32 v2, v10;
	_ =	sdelay $0x4  }
0xe9: {  	[tilespmem:v10+s10+$0x0] =	vst.idx.msk $0xffff, v1  }
0xea: {  	v10 =	vld [tilespmem:$0x1A0];
	_ =	sdelay $0x4  }
0xeb: {  	v10 =	vshll.u32 v10, $0x7  }
0xec: {  	v10 =	vor.u32 v3, v10;
	_ =	sdelay $0x4  }
0xed: {  	[tilespmem:v10+s10+$0x0] =	vst.idx.msk $0xffff, v1  }
0xee: {  	v10 =	vld [tilespmem:$0x1B0];
	_ =	sdelay $0x4  }
0xef: {  	v10 =	vshll.u32 v10, $0x7  }
0xf0: {  	v10 =	vor.u32 v4, v10;
	_ =	sdelay $0x4  }
0xf1: {  	[tilespmem:v10+s10+$0x0] =	vst.idx.msk $0xffff, v1  }
0xf2: {  	v10 =	vld [tilespmem:$0x1C0];
	_ =	sdelay $0x4  }
0xf3: {  	v10 =	vshll.u32 v10, $0x7  }
0xf4: {  	v10 =	vor.u32 v5, v10;
	_ =	sdelay $0x4  }
0xf5: {  	[tilespmem:v10+s10+$0x0] =	vst.idx.msk $0xffff, v1  }
0xf6: {  	v10 =	vld [tilespmem:$0x1D0];
	_ =	sdelay $0x4  }
0xf7: {  	v10 =	vshll.u32 v10, $0x7  }
0xf8: {  	v10 =	vor.u32 v6, v10;
	_ =	sdelay $0x4  }
0xf9: {  	[tilespmem:v10+s10+$0x0] =	vst.idx.msk $0xffff, v1  }
0xfa: {  	v10 =	vld [tilespmem:$0x1E0];
	_ =	sdelay $0x4  }
0xfb: {  	v10 =	vshll.u32 v10, $0x7  }
0xfc: {  	v10 =	vor.u32 v7, v10;
	_ =	sdelay $0x4  }
0xfd: {  	[tilespmem:v10+s10+$0x0] =	vst.idx.msk $0xffff, v1  }
0xfe: {  	v10 =	vld [tilespmem:$0x1F0];
	_ =	sdelay $0x4  }
0xff: {  	v10 =	vshll.u32 v10, $0x7  }
0x100: {  	v10 =	vor.u32 v8, v10;
	_ =	sdelay $0x3  }
0x101: {  	p0 =	sne.s32 s9, $0x1  }
.Ltmp0:
0x102: {  	[tilespmem:v10+s10+$0x0] =	vst.idx.msk $0xffff, v1;
	(pc) =	sbr.rel @p0 .LBB2_1-.Ltmp0, $4  }
0x103: {  	[hbm4b:s8+s13] =	stream.strided.scatter [tilespmem:s10], [sflag:$0x1], $0x1F400, s14, s13, $0x38;
	[tilespmem:$0x1F600] =	vst v63  }
0x104: {  	_ =	swait.ge [sflag:s15], $0x1F400  }
0x105: {  	[sflag:s15] =	ssyncset.done $0x0  }
0x106: {  	s9 =	sadd.s32 $0xFFFFFFFF, s9;
	[sflag:s15] =	ssyncadd.s32 $0xFFFE0C00  }
0x107: {  	_ =	sfence.sel $0x180000  }
0x108: {  	[bflag:$0x0] =	sbarrier.arrive $0xFFFF  }
0x109: {  	p0 =	sne.s32 s1, $0x0;
	_ =	strace $0x90000047  }
0x10a: {  	s0 =	sadd.s32 @!p0 $0x100000, s0;
	[bflag:$0x2] =	sbarrier.arrive $0xFFFF  }
0x10b: {  	[sflag:s0] =	ssyncadd.tile.s32 @!p0 $0x1;
	_ =	shalt  }
.Lfunc_end2:
_tile_overlayer_lowered:
.L_overlay_start_2:
0x10c: {  	(tag) =	ssettag $0x2  }
0x10d: {  	s0 =	rddreg [dreg:$0x0];
	s2 =	stileid.u32  }
0x10e: {  	s1 =	rddreg [dreg:$0x1];
	p0 =	sne.s32 s2, $0x0  }
0x10f: {  	s3 =	rddreg [dreg:$0x2];
	[bflag:$0x3] =	sbarrier.arrive $0xFFFF;
	s2 =	simm.s32 @!p0 $0x1C03  }
0x110: {  	[timem:s3], [sflag:s2] =	dma.local @!p0 [hbm:s0], s1  }
0x111: {  	s0 =	simm.s32 @!p0 $0x3  }
0x112: {  	_ =	swait.ge @!p0 [sflag:s0], s1  }
0x113: {  	s1 =	ssub.s32 @!p0 $0x0, s1;
	[sflag:s0] =	ssyncset.done @!p0 $0x0  }
0x114: {  	[sflag:s0] =	ssyncadd.s32 @!p0 s1  }
0x115: {  	[bflag:$0x3] =	sbarrier.arrive $0xFFFF  }
0x116: {  	_ =	shalt  }

</sc_bundles>
